<compile_context>
chip_gen: v7x
topology: tpu7x:2x2x1
jax: 0.10.2.dev20260603
libtpu: 0.0.44.dev20260713+nightly
codegen_flags: <defaults>
</compile_context>

<pallas_src>
import functools

import jax
import jax.numpy as jnp
from jax import lax
from jax.experimental import pallas as pl
from jax.experimental.pallas import tpu as pltpu
from jax.experimental.pallas import tpu_sc as plsc

B = 8192
STATE_DIM = 768
NUM_OPTIONS = 16
NUM_ACTIONS = 8
H = 128

R = 128
P = B + NUM_OPTIONS * R
NB = P // R
OUTW = 128
OBLK = 256

NC, NS = 2, 16
NW = NC * NS
GPW = P // NW
GCH = 64
GNCH = GPW // GCH
UPW = B // NW
UCH = 128


def _worker_id():
    return lax.axis_index("s") * NC + lax.axis_index("c")


def _gather_rows_body(state_hbm, idx_hbm, out_hbm,
                      idx0, idx1, buf0, buf1, sg0, sg1, sw0, sw1):
    base = _worker_id() * GPW
    idxv, bufv = [idx0, idx1], [buf0, buf1]
    gsem, wsem = [sg0, sg1], [sw0, sw1]
    writes = [None, None]
    pltpu.sync_copy(idx_hbm.at[pl.ds(base, GCH)], idxv[0])
    for c in range(GNCH):
        cur = c % 2
        if writes[cur] is not None:
            writes[cur].wait()
        g = pltpu.async_copy(state_hbm.at[idxv[cur]], bufv[cur], gsem[cur])
        if c + 1 < GNCH:
            pltpu.sync_copy(idx_hbm.at[pl.ds(base + (c + 1) * GCH, GCH)],
                            idxv[1 - cur])
        g.wait()
        writes[cur] = pltpu.async_copy(
            bufv[cur], out_hbm.at[pl.ds(base + c * GCH, GCH)], wsem[cur])
    for w in writes:
        if w is not None:
            w.wait()


def _unsort_rows_body(tab_hbm, idx_hbm, out_hbm, idx_v, rows_v, sem):
    base = _worker_id() * UPW
    for c in range(UPW // UCH):
        off = base + c * UCH
        pltpu.sync_copy(idx_hbm.at[pl.ds(off, UCH)], idx_v)
        pltpu.async_copy(tab_hbm.at[idx_v], rows_v, sem).wait()
        pltpu.sync_copy(rows_v, out_hbm.at[pl.ds(off, UCH)])


def _first_argmax(x, width):
    idx = jax.lax.broadcasted_iota(jnp.int32, x.shape, len(x.shape) - 1)
    maxv = jnp.max(x, axis=-1, keepdims=True)
    cand = jnp.where(x == maxv, idx, width)
    return jnp.min(cand, axis=-1, keepdims=True)


def _optterm_body(state_ref, Wot_ref, bot_ref, Wopt2_ref, bopt2_ref,
                  Wt2_ref, bt2_ref, popt_ref, oarg_ref, term_ref):
    x = state_ref[...]
    hh = jnp.maximum(
        jnp.dot(x, Wot_ref[...], preferred_element_type=jnp.float32)
        + bot_ref[...], 0.0)
    ho = hh[:, :H]
    ht = hh[:, H:]
    lg = (jnp.dot(ho, Wopt2_ref[...], preferred_element_type=jnp.float32)
          + bopt2_ref[...])
    ml = jnp.max(lg, axis=-1, keepdims=True)
    el = jnp.exp(lg - ml)
    popt_ref[...] = el / jnp.sum(el, axis=-1, keepdims=True)
    oarg_ref[...] = _first_argmax(lg, NUM_OPTIONS)
    term_ref[...] = jax.nn.sigmoid(
        jnp.dot(ht, Wt2_ref[...], preferred_element_type=jnp.float32)
        + bt2_ref[...])


def _expert_body(be_ref, xg_ref, W1s_ref, b1s_ref, W2s_ref, b2s_ref,
                 out_ref):
    i = pl.program_id(0)
    be = be_ref[i]

    @pl.when(be >= 0)
    def _():
        x = xg_ref[...]
        emask1 = (jax.lax.broadcasted_iota(jnp.int32, (NUM_OPTIONS, H), 0)
                  == be)
        b1 = jnp.sum(jnp.where(emask1, b1s_ref[...], 0.0),
                     axis=0, keepdims=True)
        emask2 = (jax.lax.broadcasted_iota(
            jnp.int32, (NUM_OPTIONS, NUM_ACTIONS), 0) == be)
        b2 = jnp.sum(jnp.where(emask2, b2s_ref[...], 0.0),
                     axis=0, keepdims=True)

        h1 = jnp.maximum(
            jnp.dot(x, W1s_ref[be], preferred_element_type=jnp.float32)
            + b1, 0.0)
        q = jnp.dot(h1, W2s_ref[be], preferred_element_type=jnp.float32) + b2
        mq = jnp.max(q, axis=-1, keepdims=True)
        eq = jnp.exp(q - mq)
        pact = eq / jnp.sum(eq, axis=-1, keepdims=True)
        aarg = _first_argmax(q, NUM_ACTIONS).astype(jnp.float32)
        pad = jnp.zeros((R, OUTW - NUM_ACTIONS - 1), jnp.float32)
        out_ref[...] = jnp.concatenate([pact, aarg, pad], axis=1)


def kernel(state, Wopt1, bopt1, Wopt2, bopt2, W1s, b1s, W2s, b2s,
           Wt1, bt1, Wt2, bt2):
    h_x = jnp.maximum(state @ Wopt1 + bopt1, 0.0)
    logits_x = h_x @ Wopt2 + bopt2
    skey = jax.random.key(42)
    sel = jax.random.categorical(
        skey, jax.lax.stop_gradient(logits_x), axis=-1).astype(jnp.int32)

    eye = jnp.arange(NUM_OPTIONS, dtype=jnp.int32)
    onehot = (sel[:, None] == eye[None, :]).astype(jnp.int32)
    cum = jnp.cumsum(onehot, axis=0)
    occ = jnp.take_along_axis(cum, sel[:, None], axis=1)[:, 0] - 1
    counts = cum[-1]
    pc = ((counts + R - 1) // R) * R
    cum_pc = jnp.cumsum(pc)
    offs = cum_pc - pc
    pos = offs[sel] + occ
    gather_idx = jnp.zeros((P,), jnp.int32).at[pos].set(
        jnp.arange(B, dtype=jnp.int32))
    total = cum_pc[-1]
    jblock = jnp.arange(NB, dtype=jnp.int32) * R
    be_arr = jnp.searchsorted(cum_pc, jblock, side='right').astype(jnp.int32)
    block_expert = jnp.where(jblock < total, be_arr, -1)

    mesh = plsc.VectorSubcoreMesh(core_axis_name="c", subcore_axis_name="s",
                                  num_cores=NC, num_subcores=NS)
    STRIP = True

    xg = pl.kernel(
        _gather_rows_body,
        out_type=jax.ShapeDtypeStruct((P, STATE_DIM), jnp.float32),
        mesh=mesh,
        scratch_types=[pltpu.VMEM((GCH,), jnp.int32),
                       pltpu.VMEM((GCH,), jnp.int32),
                       pltpu.VMEM((GCH, STATE_DIM), jnp.float32),
                       pltpu.VMEM((GCH, STATE_DIM), jnp.float32),
                       pltpu.SemaphoreType.DMA,
                       pltpu.SemaphoreType.DMA,
                       pltpu.SemaphoreType.DMA,
                       pltpu.SemaphoreType.DMA],
    )(state, gather_idx)

    Wot = jnp.concatenate([Wopt1, Wt1], axis=1)
    bot = jnp.concatenate([bopt1, bt1]).reshape(1, 2 * H)
    full = lambda i: (0, 0)
    popt, oarg, term = pl.pallas_call(
        _optterm_body,
        grid=(B // OBLK,),
        in_specs=[
            pl.BlockSpec((OBLK, STATE_DIM), lambda i: (i, 0)),
            pl.BlockSpec((STATE_DIM, 2 * H), full),
            pl.BlockSpec((1, 2 * H), full),
            pl.BlockSpec((H, NUM_OPTIONS), full),
            pl.BlockSpec((1, NUM_OPTIONS), full),
            pl.BlockSpec((H, 1), full),
            pl.BlockSpec((1, 1), full),
        ],
        out_specs=[
            pl.BlockSpec((OBLK, NUM_OPTIONS), lambda i: (i, 0)),
            pl.BlockSpec((OBLK, 1), lambda i: (i, 0)),
            pl.BlockSpec((OBLK, 1), lambda i: (i, 0)),
        ],
        out_shape=[
            jax.ShapeDtypeStruct((B, NUM_OPTIONS), jnp.float32),
            jax.ShapeDtypeStruct((B, 1), jnp.int32),
            jax.ShapeDtypeStruct((B, 1), jnp.float32),
        ],
    )(state, Wot, bot, Wopt2, bopt2.reshape(1, NUM_OPTIONS),
      Wt2, bt2.reshape(1, 1))

    full2 = lambda i, be: (0, 0)
    full3 = lambda i, be: (0, 0, 0)
    grid_spec = pltpu.PrefetchScalarGridSpec(
        num_scalar_prefetch=1,
        grid=(NB,),
        in_specs=[
            pl.BlockSpec((R, STATE_DIM), lambda i, be: (i, 0)),
            pl.BlockSpec((NUM_OPTIONS, STATE_DIM, H), full3),
            pl.BlockSpec((NUM_OPTIONS, H), full2),
            pl.BlockSpec((NUM_OPTIONS, H, NUM_ACTIONS), full3),
            pl.BlockSpec((NUM_OPTIONS, NUM_ACTIONS), full2),
        ],
        out_specs=pl.BlockSpec((R, OUTW), lambda i, be: (i, 0)),
    )
    combined = pl.pallas_call(
        _expert_body,
        grid_spec=grid_spec,
        out_shape=jax.ShapeDtypeStruct((P, OUTW), jnp.float32),
    )(block_expert, xg, W1s, b1s, W2s, b2s)

    out32 = pl.kernel(
        _unsort_rows_body,
        out_type=jax.ShapeDtypeStruct((B, OUTW), jnp.float32),
        mesh=mesh,
        scratch_types=[pltpu.VMEM((UCH,), jnp.int32),
                       pltpu.VMEM((UCH, OUTW), jnp.float32),
                       pltpu.SemaphoreType.DMA],
    )(combined, pos)

    act_probs = out32[:, :NUM_ACTIONS]
    act_arg = out32[:, NUM_ACTIONS].astype(jnp.int32)
    if STRIP:
        act_probs = popt[:, :NUM_ACTIONS] + gather_idx[:B, None].astype(jnp.float32) * 0 + block_expert.sum() * 0.0
        act_arg = pos.astype(jnp.int32)
    return (popt, act_probs, term, oarg.reshape(B), act_arg)

# --- scband reference (transcript-rebuilt; emitter-appended) ---
"""Pipeline reference for scband-multi-bandit-net-31636729102790 (READ-ONLY COPY).

The authoritative reference and input builder live on the scoring server;
editing this copy changes nothing except your own understanding.
"""

import jax, jax.numpy as jnp
import numpy as np

B = 8192
STATE_DIM = 768
NUM_OPTIONS = 16
NUM_ACTIONS = 8
H = 128


def _uinit(k, shape, fan_in):
    bound = 1.0 / np.sqrt(fan_in)
    return jax.random.uniform(k, shape, jnp.float32, -bound, bound)


def setup_inputs(seed: int = 0) -> dict:
    key = jax.random.key(seed)
    ks = jax.random.split(key, 14)
    state = jax.random.normal(ks[0], (B, STATE_DIM), dtype=jnp.float32)
    # option network: Linear(state_dim, H) -> ReLU -> Linear(H, num_options)
    Wopt1 = _uinit(ks[1], (STATE_DIM, H), STATE_DIM)
    bopt1 = _uinit(ks[2], (H,), STATE_DIM)
    Wopt2 = _uinit(ks[3], (H, NUM_OPTIONS), H)
    bopt2 = _uinit(ks[4], (NUM_OPTIONS,), H)
    # stacked per-option action networks (num_layers=1):
    # Linear(state_dim, H) -> ReLU -> Linear(H, num_actions)
    W1s = _uinit(ks[5], (NUM_OPTIONS, STATE_DIM, H), STATE_DIM)
    b1s = _uinit(ks[6], (NUM_OPTIONS, H), STATE_DIM)
    W2s = _uinit(ks[7], (NUM_OPTIONS, H, NUM_ACTIONS), H)
    b2s = _uinit(ks[8], (NUM_OPTIONS, NUM_ACTIONS), H)
    # termination network: Linear(state_dim, H) -> ReLU -> Linear(H, 1) -> Sigmoid
    Wt1 = _uinit(ks[9], (STATE_DIM, H), STATE_DIM)
    bt1 = _uinit(ks[10], (H,), STATE_DIM)
    Wt2 = _uinit(ks[11], (H, 1), H)
    bt2 = _uinit(ks[12], (1,), H)
    return {
        'state': state,
        'Wopt1': Wopt1, 'bopt1': bopt1, 'Wopt2': Wopt2, 'bopt2': bopt2,
        'W1s': W1s, 'b1s': b1s, 'W2s': W2s, 'b2s': b2s,
        'Wt1': Wt1, 'bt1': bt1, 'Wt2': Wt2, 'bt2': bt2,
    }


def reference(state, Wopt1, bopt1, Wopt2, bopt2, W1s, b1s, W2s, b2s, Wt1, bt1, Wt2, bt2):
    # option network + softmax
    h = jnp.maximum(state @ Wopt1 + bopt1, 0.0)
    option_logits = h @ Wopt2 + bopt2
    option_probs = jax.nn.softmax(option_logits, axis=-1)
    # per-sample multinomial sampling of an option (vectorized categorical)
    skey = jax.random.key(42)
    selected_option = jax.random.categorical(skey, jax.lax.stop_gradient(option_logits), axis=-1)  # [B]
    # compute all experts then gather the sampled one (math-equivalent to per-sample routing)
    h1 = jnp.maximum(jnp.einsum('bd,edh->beh', state, W1s) + b1s[None, :, :], 0.0)
    q_all = jnp.einsum('beh,eha->bea', h1, W2s) + b2s[None, :, :]
    q_values = jnp.take_along_axis(q_all, selected_option[:, None, None], axis=1)[:, 0, :]  # [B, A]
    action_probs = jax.nn.softmax(q_values, axis=-1)
    selected_actions = jnp.argmax(action_probs, axis=-1)
    # termination network
    ht = jnp.maximum(state @ Wt1 + bt1, 0.0)
    termination_prob = jax.nn.sigmoid(ht @ Wt2 + bt2)  # [B, 1]
    return (option_probs, action_probs, termination_prob,
            jnp.argmax(option_probs, axis=-1), selected_actions)

if __name__ == "__main__":
    import jax
    _d = setup_inputs()
    print(jax.jit(kernel)(*tuple(_d.values())))

</pallas_src>

<mosaic_0001>
module attributes {stable_mosaic.version = 14 : i64} {
  func.func @_optterm_body(%arg0: i32, %arg1: memref<256x768xf32, #tpu.memory_space<vmem>>, %arg2: memref<768x256xf32, #tpu.memory_space<vmem>>, %arg3: memref<1x256xf32, #tpu.memory_space<vmem>>, %arg4: memref<128x16xf32, #tpu.memory_space<vmem>>, %arg5: memref<1x16xf32, #tpu.memory_space<vmem>>, %arg6: memref<128x1xf32, #tpu.memory_space<vmem>>, %arg7: memref<1x1xf32, #tpu.memory_space<vmem>>, %arg8: memref<256x16xf32, #tpu.memory_space<vmem>>, %arg9: memref<256x1xi32, #tpu.memory_space<vmem>>, %arg10: memref<256x1xf32, #tpu.memory_space<vmem>>) attributes {dimension_semantics = [#tpu.dimension_semantics<arbitrary>], iteration_bounds = array<i64: 32>, scalar_prefetch = 0 : i64, scratch_operands = 0 : i64, tpu.core_type = #tpu.core_type<tc>, window_params = [{transform_indices = @transform_0, window_bounds = array<i64: 256, 768>}, {pipeline_mode = #tpu.pipeline_mode<synchronous>, transform_indices = @transform_1, window_bounds = array<i64: 768, 256>}, {pipeline_mode = #tpu.pipeline_mode<synchronous>, transform_indices = @transform_2, window_bounds = array<i64: 1, 256>}, {pipeline_mode = #tpu.pipeline_mode<synchronous>, transform_indices = @transform_3, window_bounds = array<i64: 128, 16>}, {pipeline_mode = #tpu.pipeline_mode<synchronous>, transform_indices = @transform_4, window_bounds = array<i64: 1, 16>}, {pipeline_mode = #tpu.pipeline_mode<synchronous>, transform_indices = @transform_5, window_bounds = array<i64: 128, 1>}, {pipeline_mode = #tpu.pipeline_mode<synchronous>, transform_indices = @transform_6, window_bounds = array<i64: 1, 1>}, {transform_indices = @transform_7, window_bounds = array<i64: 256, 16>}, {transform_indices = @transform_8, window_bounds = array<i64: 256, 1>}, {transform_indices = @transform_9, window_bounds = array<i64: 256, 1>}]} {
    %get3A = arith.constant 0 : index
    %get3A_0 = arith.constant 0 : index
    %get3A_1 = vector.load %arg1[%get3A, %get3A_0] : memref<256x768xf32, #tpu.memory_space<vmem>>, vector<256x768xf32>
    %get3A_2 = arith.constant 0 : index
    %get3A_3 = arith.constant 0 : index
    %get3A_4 = vector.load %arg2[%get3A_2, %get3A_3] : memref<768x256xf32, #tpu.memory_space<vmem>>, vector<768x256xf32>
    %dot_general3A = arith.constant dense<0.000000e+00> : vector<256x256xf32>
    %dot_general3A_5 = tpu.matmul %get3A_1, %get3A_4, %dot_general3A {dimension_numbers = #tpu.dot_dimension_numbers<[1], [0], [0], [1], [0, 0, 1, 1], [], []>, transpose_lhs_hint = false} : vector<256x768xf32>, vector<768x256xf32>, vector<256x256xf32> -> vector<256x256xf32>
    %get3A_6 = arith.constant 0 : index
    %get3A_7 = arith.constant 0 : index
    %get3A_8 = vector.load %arg3[%get3A_6, %get3A_7] : memref<1x256xf32, #tpu.memory_space<vmem>>, vector<1x256xf32>
    %add3A = vector.broadcast %get3A_8 : vector<1x256xf32> to vector<256x256xf32>
    %add3A_9 = arith.addf %dot_general3A_5, %add3A : vector<256x256xf32>
    %max3A = arith.constant 0.000000e+00 : f32
    %max3A_10 = vector.broadcast %max3A : f32 to vector<256x256xf32>
    %max3A_11 = arith.maximumf %add3A_9, %max3A_10 : vector<256x256xf32>
    %slice3A = vector.extract_strided_slice %max3A_11 {offsets = [0, 0], sizes = [256, 128], strides = [1, 1]} : vector<256x256xf32> to vector<256x128xf32>
    %slice3A_12 = vector.extract_strided_slice %max3A_11 {offsets = [0, 128], sizes = [256, 128], strides = [1, 1]} : vector<256x256xf32> to vector<256x128xf32>
    %get3A_13 = arith.constant 0 : index
    %get3A_14 = arith.constant 0 : index
    %get3A_15 = vector.load %arg4[%get3A_13, %get3A_14] : memref<128x16xf32, #tpu.memory_space<vmem>>, vector<128x16xf32>
    %dot_general3A_16 = arith.constant dense<0.000000e+00> : vector<256x16xf32>
    %dot_general3A_17 = tpu.matmul %slice3A, %get3A_15, %dot_general3A_16 {dimension_numbers = #tpu.dot_dimension_numbers<[1], [0], [0], [1], [0, 0, 1, 1], [], []>, transpose_lhs_hint = false} : vector<256x128xf32>, vector<128x16xf32>, vector<256x16xf32> -> vector<256x16xf32>
    %get3A_18 = arith.constant 0 : index
    %get3A_19 = arith.constant 0 : index
    %get3A_20 = vector.load %arg5[%get3A_18, %get3A_19] : memref<1x16xf32, #tpu.memory_space<vmem>>, vector<1x16xf32>
    %add3A_21 = vector.broadcast %get3A_20 : vector<1x16xf32> to vector<256x16xf32>
    %add3A_22 = arith.addf %dot_general3A_17, %add3A_21 : vector<256x16xf32>
    %reduce_max3A = arith.constant dense<0xFF800000> : vector<256xf32>
    %reduce_max3A_23 = vector.multi_reduction <maximumf>, %add3A_22, %reduce_max3A [1] : vector<256x16xf32> to vector<256xf32>
    %broadcast_in_dim3A = vector.shape_cast %reduce_max3A_23 : vector<256xf32> to vector<256x1xf32>
    %sub3A = vector.broadcast %broadcast_in_dim3A : vector<256x1xf32> to vector<256x16xf32>
    %sub3A_24 = arith.subf %add3A_22, %sub3A : vector<256x16xf32>
    %exp3A = math.exp %sub3A_24 : vector<256x16xf32>
    %reduce_sum3A = arith.constant dense<0.000000e+00> : vector<256xf32>
    %reduce_sum3A_25 = vector.multi_reduction <add>, %exp3A, %reduce_sum3A [1] : vector<256x16xf32> to vector<256xf32>
    %broadcast_in_dim3A_26 = vector.shape_cast %reduce_sum3A_25 : vector<256xf32> to vector<256x1xf32>
    %div3A = vector.broadcast %broadcast_in_dim3A_26 : vector<256x1xf32> to vector<256x16xf32>
    %div3A_27 = arith.divf %exp3A, %div3A : vector<256x16xf32>
    %swap3A = arith.constant 0 : index
    %swap3A_28 = arith.constant 0 : index
    %swap3A_29 = vector.load %arg8[%swap3A, %swap3A_28] : memref<256x16xf32, #tpu.memory_space<vmem>>, vector<256x16xf32>
    tpu.vector_store %arg8[%swap3A, %swap3A_28], %div3A_27 {strides = array<i32>} : memref<256x16xf32, #tpu.memory_space<vmem>>, vector<256x16xf32>,
    %iota3A = tpu.iota {dimensions = array<i32: 1>} : vector<256x16xi32>
    %reduce_max3A_30 = arith.constant dense<0xFF800000> : vector<256xf32>
    %reduce_max3A_31 = vector.multi_reduction <maximumf>, %add3A_22, %reduce_max3A_30 [1] : vector<256x16xf32> to vector<256xf32>
    %broadcast_in_dim3A_32 = vector.shape_cast %reduce_max3A_31 : vector<256xf32> to vector<256x1xf32>
    %eq3A = vector.broadcast %broadcast_in_dim3A_32 : vector<256x1xf32> to vector<256x16xf32>
    %eq3A_33 = arith.cmpf oeq, %add3A_22, %eq3A : vector<256x16xf32>
    %jit3A = arith.constant 16 : i32
    %broadcast_in_dim3A_34 = vector.broadcast %jit3A : i32 to vector<256x16xi32>
    %select_n3A = arith.select %eq3A_33, %iota3A, %broadcast_in_dim3A_34 : vector<256x16xi1>, vector<256x16xi32>
    %reduce_min3A = arith.constant dense<2147483647> : vector<256xi32>
    %reduce_min3A_35 = vector.multi_reduction <minsi>, %select_n3A, %reduce_min3A [1] : vector<256x16xi32> to vector<256xi32>
    %broadcast_in_dim3A_36 = vector.shape_cast %reduce_min3A_35 : vector<256xi32> to vector<256x1xi32>
    %swap3A_37 = arith.constant 0 : index
    %swap3A_38 = arith.constant 0 : index
    %swap3A_39 = vector.load %arg9[%swap3A_37, %swap3A_38] : memref<256x1xi32, #tpu.memory_space<vmem>>, vector<256x1xi32>
    tpu.vector_store %arg9[%swap3A_37, %swap3A_38], %broadcast_in_dim3A_36 {strides = array<i32>} : memref<256x1xi32, #tpu.memory_space<vmem>>, vector<256x1xi32>,
    %get3A_40 = arith.constant 0 : index
    %get3A_41 = arith.constant 0 : index
    %get3A_42 = vector.load %arg6[%get3A_40, %get3A_41] : memref<128x1xf32, #tpu.memory_space<vmem>>, vector<128x1xf32>
    %dot_general3A_43 = arith.constant dense<0.000000e+00> : vector<256x1xf32>
    %dot_general3A_44 = tpu.matmul %slice3A_12, %get3A_42, %dot_general3A_43 {dimension_numbers = #tpu.dot_dimension_numbers<[1], [0], [0], [1], [0, 0, 1, 1], [], []>, transpose_lhs_hint = false} : vector<256x128xf32>, vector<128x1xf32>, vector<256x1xf32> -> vector<256x1xf32>
    %get3A_45 = arith.constant 0 : index
    %get3A_46 = arith.constant 0 : index
    %get3A_47 = vector.load %arg7[%get3A_45, %get3A_46] : memref<1x1xf32, #tpu.memory_space<vmem>>, vector<1x1xf32>
    %add3A_48 = vector.broadcast %get3A_47 : vector<1x1xf32> to vector<256x1xf32>
    %add3A_49 = arith.addf %dot_general3A_44, %add3A_48 : vector<256x1xf32>
    %logistic3A = arith.negf %add3A_49 : vector<256x1xf32>
    %logistic3A_50 = math.exp %logistic3A : vector<256x1xf32>
    %logistic3A_51 = arith.constant 1.000000e+00 : f32
    %logistic3A_52 = vector.broadcast %logistic3A_51 : f32 to vector<256x1xf32>
    %logistic3A_53 = arith.addf %logistic3A_52, %logistic3A_50 : vector<256x1xf32>
    %logistic3A_54 = arith.divf %logistic3A_52, %logistic3A_53 : vector<256x1xf32>
    %swap3A_55 = arith.constant 0 : index
    %swap3A_56 = arith.constant 0 : index
    %swap3A_57 = vector.load %arg10[%swap3A_55, %swap3A_56] : memref<256x1xf32, #tpu.memory_space<vmem>>, vector<256x1xf32>
    tpu.vector_store %arg10[%swap3A_55, %swap3A_56], %logistic3A_54 {strides = array<i32>} : memref<256x1xf32, #tpu.memory_space<vmem>>, vector<256x1xf32>,
    return
  }
  func.func @transform_0(%arg0: i32) -> (i32, i32) {
    %c0_i32 = arith.constant 0 : i32
    %c0_i32_0 = arith.constant 0 : i32
    return %arg0, %c0_i32 : i32, i32
  }
  func.func @transform_1(%arg0: i32) -> (i32, i32) {
    %c0_i32 = arith.constant 0 : i32
    %c0_i32_0 = arith.constant 0 : i32
    %c0_i32_1 = arith.constant 0 : i32
    return %c0_i32, %c0_i32_0 : i32, i32
  }
  func.func @transform_2(%arg0: i32) -> (i32, i32) {
    %c0_i32 = arith.constant 0 : i32
    %c0_i32_0 = arith.constant 0 : i32
    %c0_i32_1 = arith.constant 0 : i32
    return %c0_i32, %c0_i32_0 : i32, i32
  }
  func.func @transform_3(%arg0: i32) -> (i32, i32) {
    %c0_i32 = arith.constant 0 : i32
    %c0_i32_0 = arith.constant 0 : i32
    %c0_i32_1 = arith.constant 0 : i32
    return %c0_i32, %c0_i32_0 : i32, i32
  }
  func.func @transform_4(%arg0: i32) -> (i32, i32) {
    %c0_i32 = arith.constant 0 : i32
    %c0_i32_0 = arith.constant 0 : i32
    %c0_i32_1 = arith.constant 0 : i32
    return %c0_i32, %c0_i32_0 : i32, i32
  }
  func.func @transform_5(%arg0: i32) -> (i32, i32) {
    %c0_i32 = arith.constant 0 : i32
    %c0_i32_0 = arith.constant 0 : i32
    %c0_i32_1 = arith.constant 0 : i32
    return %c0_i32, %c0_i32_0 : i32, i32
  }
  func.func @transform_6(%arg0: i32) -> (i32, i32) {
    %c0_i32 = arith.constant 0 : i32
    %c0_i32_0 = arith.constant 0 : i32
    %c0_i32_1 = arith.constant 0 : i32
    return %c0_i32, %c0_i32_0 : i32, i32
  }
  func.func @transform_7(%arg0: i32) -> (i32, i32) {
    %c0_i32 = arith.constant 0 : i32
    %c0_i32_0 = arith.constant 0 : i32
    return %arg0, %c0_i32 : i32, i32
  }
  func.func @transform_8(%arg0: i32) -> (i32, i32) {
    %c0_i32 = arith.constant 0 : i32
    %c0_i32_0 = arith.constant 0 : i32
    return %arg0, %c0_i32 : i32, i32
  }
  func.func @transform_9(%arg0: i32) -> (i32, i32) {
    %c0_i32 = arith.constant 0 : i32
    %c0_i32_0 = arith.constant 0 : i32
    return %arg0, %c0_i32 : i32, i32
  }
}

</mosaic_0001>

<sc_bundles>
// kernel: gather_offload_async_start
scs
__scs_entry_jumppad:
0x0: {  	(pc) =	sbr.rel $0x88, $3  }
0x1: {  	(tag) =	ssettag $0x0;
	lr =	simm.s32 $0x1  }
0x2: {  	[smem:$0x3F94] =	sst lr;
	_ =	strace $0xD0000000  }
0x3: {  	_ = 	snop  }
0x4: {  	_ = 	snop  }
0x5: {  	_ = 	snop  }
0x6: {  	_ = 	snop  }
0x7: {  	_ = 	snop  }
__scs_overlays_trampoline_lowered:
0x8: {  	[smem:$0x3FA3] =	sst s0  }
0x9: {  	[smem:$0x3FA4] =	sst s1  }
0xa: {  	[smem:$0x3FA5] =	sst s2  }
0xb: {  	[smem:$0x3FA6] =	sst s3  }
0xc: {  	[smem:$0x3FA7] =	sst s4  }
0xd: {  	[smem:$0x3FA8] =	sst s5  }
0xe: {  	[smem:$0x3FA9] =	sst s6  }
0xf: {  	[smem:$0x3FAA] =	sst s7  }
0x10: {  	[smem:$0x3FAB] =	sst s8  }
0x11: {  	[smem:$0x3FAC] =	sst s9;
	s0 =	simm.s32 @!p0 $0x0  }
0x12: {  	s1 =	sld [smem:$0x3F92];
	s0 =	simm.s32 @p0 $0x1  }
0x13: {  	[smem:$0x3FAD] =	sst s0;
	s0 =	simm.s32 @!p1 $0x0  }
0x14: {  	s2 =	sld [smem:$0x3F91];
	s0 =	simm.s32 @p1 $0x1  }
0x15: {  	[smem:$0x3FAE] =	sst s0;
	s0 =	simm.s32 @!p2 $0x0  }
0x16: {  	s3 =	sld [smem:$0x3FDB];
	s0 =	simm.s32 @p2 $0x1  }
0x17: {  	s4 =	simm.s32 $0x1BF5;
	[smem:$0x3FB0] =	sst s0  }
0x18: {  	s0 =	sld [smem:$0x3F93];
	_ =	swait.ge [sflag:s4], $0x0  }
0x19: {  	s7 =	sld [smem:$0x3F94]  }
0x1a: {  	s8 =	sadd.s32 $0xFFFFE003, lr  }
0x1b: {  	s9 =	sadd.s32 $0xFFFFFEF7, lr;
	s5 =	simm.s32 $0xFFFFFFFF;
	p2 =	slt.u32 s8, $0xFFFFF086  }
0x1c: {  	p1 =	slt.u32 s9, $0xF7A;
	s5 =	simm.s32 @!p2 $0x0  }
0x1d: {  	s5 =	simm.s32 @p1 $0x1;
	p0 =	seq.s32 s7, s2  }
0x1e: {  	s7 =	smul.u32 @!p0 $0xF7A, s2;
	p2 =	seq.s32 @!p0 s5, $0x0  }
0x1f: {  	s9 =	smul.u32 $0xF7A, s1;
	s8 =	simm.s32 @!p0 $0x1BF5;
	p2 =	por !p2, p0  }
0x20: {  	[sflag:s8] =	ssyncset.s32 @!p0 $0xFFFFF086;
	s6 =	sadd.s32 @!p0 s3, s7;
	s7 =	simm.s32 @!p0 $0x108  }
0x21: {  	s3 =	sadd.s32 s3, s9;
	s6 =	sadd.s32 @!p0 $0x88, s6;
	s7 =	simm.s32 @p2 $0x1082  }
0x22: {  	[simem:s7], [sflag:s8] =	dma.local @!p0 [hbm:s6], $0xF7A  }
0x23: {  	s9 =	sor.u32 $0xD0000000, s2;
	s6 =	simm.s32 $0x108;
	_ =	swait.ge @!p0 [sflag:s8], $0x0  }
0x24: {  	s3 =	sadd.s32 $0x88, s3;
	s6 =	simm.s32 @!p1 $0x1082;
	[sflag:s4] =	ssyncset.s32 $0xFFFFF086  }
0x25: {  	[simem:s6], [sflag:s4] =	dma.local [hbm:s3], $0xF7A  }
0x26: {  	[smem:$0x3F94] =	sst s1;
	(tag) =	ssettag s2;
	_ =	strace s9  }
0x27: {  	s1 =	sld [smem:$0x3FA4]  }
0x28: {  	s2 =	sld [smem:$0x3FA5]  }
0x29: {  	s4 =	sld [smem:$0x3FA7]  }
0x2a: {  	p0 =	seq.s32 s5, $0x0;
	s5 =	sld [smem:$0x3FA8]  }
0x2b: {  	s6 =	sld [smem:$0x3FA9]  }
0x2c: {  	s7 =	sld [smem:$0x3FAA]  }
0x2d: {  	s3 =	simm.s32 $0x108;
	s8 =	sld [smem:$0x3FAB]  }
0x2e: {  	s3 =	simm.s32 @!p0 $0x1082;
	s9 =	sld [smem:$0x3FAC]  }
0x2f: {  	lr =	sadd.s32 s0, s3;
	s0 =	sld [smem:$0x3FA3]  }
0x30: {  	s3 =	sld [smem:$0x3FA6]  }
0x31: {  	[smem:$0x3FAF] =	sst s10  }
0x32: {  	s10 =	sld [smem:$0x3FAD];
	_ =	sdelay $0x3  }
0x33: {  	p0 =	seq.s32 s10, $0x1;
	s10 =	sld [smem:$0x3FAF];
	_ =	sdelay $0x3  }
0x34: {  	[smem:$0x3FAF] =	sst s10  }
0x35: {  	s10 =	sld [smem:$0x3FAE];
	_ =	sdelay $0x3  }
0x36: {  	p1 =	seq.s32 s10, $0x1;
	s10 =	sld [smem:$0x3FAF];
	_ =	sdelay $0x3  }
0x37: {  	[smem:$0x3FAF] =	sst s10  }
0x38: {  	s10 =	sld [smem:$0x3FB0]  }
0x39: {  	_ = 	snop;
	(pc) =	sbr.ind lr, $3  }
0x3a: {  	_ = 	snop  }
0x3b: {  	_ = 	snop  }
0x3c: {  	p2 =	seq.s32 s10, $0x1;
	s10 =	sld [smem:$0x3FAF]  }
0x3d: {  	_ =	shalt  }
0x3e: {  	_ =	shalt  }
0x3f: {  	_ =	shalt  }
0x40: {  	_ =	shalt  }
0x41: {  	_ =	shalt  }
0x42: {  	_ =	shalt  }
0x43: {  	_ =	shalt  }
0x44: {  	_ =	shalt  }
0x45: {  	_ =	shalt  }
0x46: {  	_ =	shalt  }
0x47: {  	_ =	shalt  }
0x48: {  	_ =	shalt  }
0x49: {  	_ =	shalt  }
0x4a: {  	_ =	shalt  }
0x4b: {  	_ =	shalt  }
0x4c: {  	_ =	shalt  }
0x4d: {  	_ =	shalt  }
0x4e: {  	_ =	shalt  }
0x4f: {  	_ =	shalt  }
0x50: {  	_ =	shalt  }
0x51: {  	_ =	shalt  }
0x52: {  	_ =	shalt  }
0x53: {  	_ =	shalt  }
0x54: {  	_ =	shalt  }
0x55: {  	_ =	shalt  }
0x56: {  	_ =	shalt  }
0x57: {  	_ =	shalt  }
0x58: {  	_ =	shalt  }
0x59: {  	_ =	shalt  }
0x5a: {  	_ =	shalt  }
0x5b: {  	_ =	shalt  }
0x5c: {  	_ =	shalt  }
0x5d: {  	_ =	shalt  }
0x5e: {  	_ =	shalt  }
0x5f: {  	_ =	shalt  }
0x60: {  	_ =	shalt  }
0x61: {  	_ =	shalt  }
0x62: {  	_ =	shalt  }
0x63: {  	_ =	shalt  }
0x64: {  	_ =	shalt  }
0x65: {  	_ =	shalt  }
0x66: {  	_ =	shalt  }
0x67: {  	_ =	shalt  }
0x68: {  	_ =	shalt  }
0x69: {  	_ =	shalt  }
0x6a: {  	_ =	shalt  }
0x6b: {  	_ =	shalt  }
0x6c: {  	_ =	shalt  }
0x6d: {  	_ =	shalt  }
0x6e: {  	_ =	shalt  }
0x6f: {  	_ =	shalt  }
0x70: {  	_ =	shalt  }
0x71: {  	_ =	shalt  }
0x72: {  	_ =	shalt  }
0x73: {  	_ =	shalt  }
0x74: {  	_ =	shalt  }
0x75: {  	_ =	shalt  }
0x76: {  	_ =	shalt  }
0x77: {  	_ =	shalt  }
0x78: {  	_ =	shalt  }
0x79: {  	_ =	shalt  }
0x7a: {  	_ =	shalt  }
0x7b: {  	_ =	shalt  }
0x7c: {  	_ =	shalt  }
0x7d: {  	_ =	shalt  }
0x7e: {  	_ =	shalt  }
0x7f: {  	_ =	shalt  }
0x80: {  	_ =	shalt  }
0x81: {  	_ =	shalt  }
0x82: {  	_ =	shalt  }
0x83: {  	_ =	shalt  }
0x84: {  	_ =	shalt  }
0x85: {  	_ =	shalt  }
0x86: {  	_ =	shalt  }
0x87: {  	_ =	shalt  }
.Lfunc_end0:
.L_simem_size_0:
called_computation_lowered:
.L_overlay_start_0:
0x88: {  	s2 =	sld [smem:$0x3FD9]  }
0x89: {  	s3 =	sld [smem:$0x3FFE];
	_ =	sdelay $0x1  }
0x8a: {  	s1 =	srdreg.scid  }
0x8b: {  	s0 =	sand.u32 $0x1, s1  }
0x8c: {  	s14 =	sshll.u32 s0, $0xA;
	s2 =	sadd.s32 s3, s2  }
0x8d: {  	s2 =	sadd.s32 s2, s14  }
0x8e: {  	[smem:$0x3FBB] =	sst s2  }
0x8f: {  	_ = 	snop  }
0x90: {  	s2 =	sld [smem:$0x3FD0];
	_ =	sdelay $0x2  }
0x91: {  	s15 =	simm.s32 $0xA;
	s4 =	simm.s32 $0x10  }
0x92: {  	[smem:s4], [sflag:s15] =	dma.local [hbm:s2], $0x1  }
0x93: {  	_ =	swait.eq [sflag:s15], $0x1  }
0x94: {  	[sflag:s15] =	ssyncset.done $0x0  }
0x95: {  	s16 =	sld [smem:$0x11];
	[sflag:s15] =	ssyncadd.s32 $0xFFFFFFFF  }
0x96: {  	s17 =	sld [smem:$0x14];
	(tm) =	ssettm $0x1  }
0x97: {  	s18 =	sld [smem:$0x3FFB];
	_ =	sdelay $0x3  }
0x98: {  	_ =	strace s18  }
0x99: {  	s4 =	sld [smem:$0x3FFC];
	_ =	sdelay $0x3  }
0x9a: {  	_ =	strace s4  }
0x9b: {  	s4 =	sld [smem:$0x3FFD];
	_ =	sdelay $0x3  }
0x9c: {  	_ =	strace s4  }
0x9d: {  	_ =	strace $0x8FFFFFFF  }
0x9e: {  	s19 =	sld [smem:$0x3FDB];
	_ =	sdelay $0x1  }
0x9f: {  	s5 =	simm.s32 $_scs_section_size  }
0xa0: {  	s6 =	simm.s32 $_size__tile_overlayer_lowered;
	s7 =	simm.s32 $_tile_overlayer_lowered  }
0xa1: {  	s22 =	simm.s32 $0x1BFF;
	s21 =	sshll.u32 s7, $0x1;
	s4 =	sadd.s32 s5, s19  }
0xa2: {  	s8 =	simm.s32 $0x0;
	s20 =	sshll.u32 s6, $0x1;
	s6 =	sadd.s32 s21, s4  }
0xa3: {  	[timem:s8], [sflag:s22] =	dma.local [hbm:s6], s20  }
0xa4: {  	_ =	swait.ge [sflag:s22], s20  }
0xa5: {  	s5 =	ssub.s32 $0x0, s20;
	[sflag:s22] =	ssyncset.done $0x0  }
0xa6: {  	[sflag:s22] =	ssyncadd.s32 s5;
	_ =	sdelay $0x1  }
0xa7: {  	s23 =	simm.s32 $0x1B8B  }
0xa8: {  	_ =	swait.ge [sflag:s23], $0x1  }
0xa9: {  	[sflag:s23] =	ssyncset.done $0x0  }
0xaa: {  	s25 =	simm.s32 $0x1B8E;
	s24 =	sld [smem:$0x3FFE];
	[sflag:s23] =	ssyncadd.s32 $0xFFFFFFFF  }
0xab: {  	s26 =	simm.s32 $execute0_lowered;
	[smem:$0x3FD2] =	sst s25  }
0xac: {  	s6 =	sshll.u32 s26, $0x1;
	_ =	strace $0x80000046;
	[dreg:$0x1] =	wrdreg $0xFFFFFFFF  }
0xad: {  	s28 =	simm.s32 $_size_execute0_lowered;
	s4 =	sadd.s32 s4, s6;
	[dreg:$0x0] =	wrdreg $0x0  }
0xae: {  	s6 =	sshll.u32 s28, $0x1;
	[dreg:$0x2] =	wrdreg s4  }
0xaf: {  	[dreg:$0x3] =	wrdreg s6  }
0xb0: {  	[dreg:$0x4] =	wrdreg $0xC0  }
0xb1: {  	_ =	task [dreg:s8], $0x5FFFF  }
0xb2: {  	[dreg:$0x1] =	wrdreg $0xFFFFFFFF  }
0xb3: {  	[dreg:$0x0] =	wrdreg $0x60  }
0xb4: {  	[dreg:$0x2] =	wrdreg s24  }
0xb5: {  	[dreg:$0x3] =	wrdreg s17  }
0xb6: {  	[dreg:$0x4] =	wrdreg s16  }
0xb7: {  	[dreg:$0x5] =	wrdreg $0x9  }
0xb8: {  	_ =	task.clear_ibuf [dreg:s8], $0x6FFFF;
	_ =	strace $0x90000046  }
0xb9: {  	s29 =	simm.s32 $0x9;
	_ =	strace $0x80000048  }
0xba: {  	_ =	swait.ge [sflag:s29], $0x1  }
0xbb: {  	[sflag:s29] =	ssyncadd.s32 $0xFFFFFFFF  }
0xbc: {  	_ =	strace $0x90000048  }
0xbd: {  	_ =	sfence  }
0xbe: {  	s30 =	sld [smem:$0x0];
	_ =	sdelay $0x2  }
0xbf: {  	s31 =	sshll.u32 s1, $0xD;
	s1 =	sshrl.u32 s1, $0x2  }
0xc0: {  	s3 =	sand.u32 $0x4000, s31;
	s1 =	sadd.s32 s1, s30  }
0xc1: {  	s0 =	sor.u32 s3, s0;
	s1 =	sshll.u32 s1, $0x11  }
0xc2: {  	s0 =	sor.u32 s1, s0  }
0xc3: {  	s0 =	sadd.s32 $0x8F2B, s0  }
0xc4: {  	[sflag:s0] =	ssyncadd.remote.s32 $0x1  }
0xc5: {  	_ =	sfence.sel $0xFFFF  }
0xc6: {  	[dreg:$0x0] =	wrdreg $0xFFFFFFFF;
	(pc) =	sbr.abs _section_cstart, $3  }
0xc7: {  	[dreg:$0x1] =	wrdreg $0xFFFFFFFF  }
0xc8: {  	_ =	task.clear_ibuf [dreg:s8], $0x2FFFF;
	_ =	strace $0x9FFFFFFF  }
0xc9: {  	(tm) =	ssettm $0x7FFFFFFF  }
tec
execute0_lowered:
.L_overlay_start_1:
0x0: {  	(tag) =	ssettag $0x1  }
0x1: {  	s1 =	srdreg.scid;
	s2 =	rddreg [dreg:$0x0]  }
0x2: {  	s0 =	stileid.u32;
	s3 =	rddreg [dreg:$0x1]  }
0x3: {  	s4 =	rddreg [dreg:$0x2];
	s6 =	simm.s32 $0x1;
	s1 =	sshll.u32 s1, $0x7  }
0x4: {  	s9 =	simm.s32 $0x1;
	s5 =	sshll.u32 s0, $0x8;
	s1 =	sand.u32 $0x80, s1  }
0x5: {  	s10 =	simm.s32 $0x3;
	s13 =	simm.s32 $0x0;
	s5 =	sor.u32 s5, s1  }
0x6: {  	s12 =	simm.s32 $0x0;
	s1 =	rddreg [dreg:$0x3];
	s8 =	ssub.s32 $0x2000, s5  }
.Ltmp0:
0x7: {  	_ =	strace $0x80000047;
	s7 =	sand.u32 $0xF80, s8;
	(pc) =	sbr.rel .LBB2_1-.Ltmp0, $4  }
0x8: {  	[sflag:s6] =	ssyncpa.u1 $0x0;
	s11 =	smov.u32 s5;
	p0 =	sne.s32 s7, $0x0  }
0x9: {  	s8 =	sshrl.u32 s8, $0xC;
	s7 =	simm.s32 $0x2;
	s9 =	simm.s32 @!p0 $0x0  }
0xa: {  	[sflag:s7] =	ssyncpa.u1 $0x0;
	p0 =	por $0x0, $0x0;
	s8 =	sadd.s32 s9, s8  }
0xb: {  	vm0 =	vmmov $0xffff;
	[sflag:s10] =	ssyncpa.u1 $0x0;
	s10 =	simm.s32 $0x0;
	s9 =	sadd.s32 $0x1, s8  }
.LBB2_4:
0xc: {  	v5 =	vshrl.u32 v1, $0xD;
	v6 =	vshll.u32 v1, $0x7  }
0xd: {  	vm1 =	veq.s32 v1, $0x80000000;
	v58 =	vand.u32 $0xF, v5;
	v59 =	vand.u32 $0xFFF80, v6  }
0xe: {  	v1 =	vsel vm1, $0xFFFFFFFF, v58;
	v5 =	vsel vm1, $0xFFFFFF80, v59  }
0xf: {  	v3 =	vor.u32 v4, v3;
	v60 =	vand.u32 $0xFFFFFC00, v5;
	v61 =	vand.u32 $0xFFFFFC00, v1  }
0x10: {  	v2 =	vor.u32 v2, v3;
	v63 =	vand.u32 $0x380, v5;
	v62 =	vadd.s32 v61, v60  }
0x11: {  	v1 =	vand.u32 $0x7F, v1;
	v3 =	vor.u32 v63, v62  }
0x12: {  	v1 =	vor.u32 v1, v3  }
0x13: {  	[tilespmem:s15], [sflag:$0x1] =	stream.indirect_vreg.gather [hbm4b:s2+s10], $0x1, v0, vm0, $0x4038;
	[tilespmem:$0x200] =	vst v63  }
0x14: {  	(ifvalue) =	ssetifvalue $0x7FFFFFFF  }
0x15: {  	[tilespmem:s16], [sflag:$0x1] =	stream.indirect_vreg.gather [hbm4b:s2+s10], $0x1, v2, vm0, $0x4038;
	[tilespmem:$0x200] =	vst v63  }
0x16: {  	s29 =	sadd.s32 $0x10, s16;
	(ifvalue) =	ssetifvalue $0x7FFFFFFF  }
0x17: {  	[tilespmem:s29], [sflag:$0x1] =	stream.indirect_vreg.gather [hbm4b:s2+s10], $0x1, v1, vm0, $0x4038;
	[tilespmem:$0x200] =	vst v63  }
0x18: {  	_ =	swait.ge [sflag:s6], $0x80  }
0x19: {  	s30 =	sshrl.u32 s13, $0x3;
	[sflag:s6] =	ssyncset.done $0x0  }
0x1a: {  	s31 =	sand.u32 $0x7, s13;
	s15 =	sadd.s32 s4, s30;
	[sflag:s6] =	ssyncadd.s32 $0xFFFFFF80  }
0x1b: {  	[hbm4b:s15+s31] =	stream.linear.scatter [tilespmem:s14], [sflag:$0x3], $0x80, $0x38;
	[tilespmem:$0x200] =	vst v63  }
.LBB2_5:
0x1c: {  	s15 =	sadd.s32 $0x1000, s11  }
0x1d: {  	p2 =	sgt.s32 s15, $0x1FFF  }
0x1e: {  	s15 =	smov.u32 @p2 s5;
	p2 =	sne.s32 s12, s9  }
.Ltmp1:
0x1f: {  	p1 =	slt.u32 s12, $0x2;
	(pc) =	sbr.rel @!p2 .LBB2_6-.Ltmp1, $4  }
0x20: {  	s14 =	simm.s32 @!p1 $0x3  }
0x21: {  	s16 =	sadd.s32 $0x1, s12;
	_ =	swait.ge @!p1 [sflag:s14], $0x80  }
0x22: {  	s13 =	smov.u32 s11;
	p0 =	por !p0, !p0;
	[sflag:s14] =	ssyncset.done @!p1 $0x0  }
0x23: {  	s12 =	smov.u32 s16;
	s11 =	smov.u32 s15;
	[sflag:s14] =	ssyncadd.s32 @!p1 $0xFFFFFF80  }
.LBB2_1:
0x24: {  	p1 =	sge.u32 s12, s8  }
0x25: {  	s14 =	sxor.u32 @!p1 $0xFFFFFFFF, s12  }
0x26: {  	s31 =	sadd.s32 $0xFFFFFFFF, s12;
	s15 =	sshrl.u32 @!p1 s11, $0x3;
	s14 =	sshll.u32 @!p1 s14, $0x7  }
0x27: {  	s16 =	sand.u32 @!p1 $0x7, s11;
	s15 =	sadd.s32 @!p1 s3, s15;
	s14 =	sand.u32 @!p1 $0x80, s14  }
0x28: {  	[tilespmem:s14], [sflag:$0x2] =	stream.linear.gather @!p1 [hbm4b:s15+s16], $0x80, $0x38;
	[tilespmem:$0x200] =	vst v63  }
0x29: {  	p1 =	sge.u32 s31, s8  }
.Ltmp2:
0x2a: {  	_ = 	snop;
	(pc) =	sbr.rel @p1 .LBB2_5-.Ltmp2, $1  }
0x2b: {  	_ =	sdelay $0x3  }
0x2c: {  	s14 =	simm.s32 $0x1  }
0x2d: {  	_ =	swait.ge [sflag:s7], $0x80;
	s14 =	simm.s32 @!p0 $0x0  }
0x2e: {  	[sflag:s7] =	ssyncset.done $0x0;
	s14 =	sshll.u32 s14, $0x7  }
0x2f: {  	[sflag:s7] =	ssyncadd.s32 $0xFFFFFF80;
	(ifvalue) =	ssetifvalue $0x7FFFFFFF;
	v0 =	vld.msk [tilespmem:s14+$0x0 ss:$0x1], $0xffff;
	_ =	sdelay $0x4  }
0x30: {  	s15 =	sadd.s32 $0x10, s14;
	v2 =	vshrl.u32 v0, $0xD;
	v3 =	vshll.u32 v0, $0x7  }
0x31: {  	v1 =	vld.msk [tilespmem:s15+$0x0 ss:$0x1], $0xffff;
	vm1 =	veq.s32 v0, $0x80000000;
	v0 =	vand.u32 $0xF, v2;
	v2 =	vand.u32 $0xFFF80, v3  }
0x32: {  	v0 =	vsel vm1, $0xFFFFFFFF, v0;
	v2 =	vsel vm1, $0xFFFFFF80, v2  }
0x33: {  	v3 =	vand.u32 $0xFFFFFC00, v2;
	v4 =	vand.u32 $0xFFFFFC00, v0  }
0x34: {  	v2 =	vand.u32 $0x380, v2;
	v3 =	vadd.s32 v4, v3  }
0x35: {  	v0 =	vand.u32 $0x7F, v0;
	v2 =	vor.u32 v2, v3  }
0x36: {  	v5 =	vshll.u32 v1, $0x7;
	v4 =	vshrl.u32 v1, $0xD;
	v0 =	vor.u32 v0, v2  }
0x37: {  	s16 =	sshll.u32 s12, $0x7;
	vm1 =	veq.s32 v1, $0x80000000;
	v1 =	vand.u32 $0xF, v4;
	v4 =	vand.u32 $0xFFF80, v5  }
0x38: {  	s16 =	sand.u32 $0x80, s16;
	s18 =	sadd.s32 $0x10, s15;
	v3 =	vsel vm1, $0xFFFFFFFF, v1;
	v4 =	vsel vm1, $0xFFFFFF80, v4  }
0x39: {  	s17 =	simm.s32 $0x20;
	s15 =	sor.u32 $0x100, s14;
	s14 =	sor.u32 $0x100, s16;
	v1 =	vld.msk [tilespmem:s18+$0x0 ss:$0x1], $0xffff;
	v5 =	vand.u32 $0xFFFFFC00, v4;
	v6 =	vand.u32 $0xFFFFFC00, v3  }
0x3a: {  	s16 =	sadd.s32 $0x10, s15;
	s18 =	sadd.s32 $0x10, s18;
	(ifvalue) =	ssetifvalue $0x7FFFFFFF;
	v2 =	vand.u32 $0x7F, v3;
	v4 =	vand.u32 $0x380, v4;
	v3 =	vadd.s32 v6, v5  }
.LBB2_3:
0x3b: {  	[tilespmem:s15], [sflag:$0x1] =	stream.indirect_vreg.gather [hbm4b:s2+s10], $0x1, v0, vm0, $0x4038;
	[tilespmem:$0x200] =	vst v63  }
0x3c: {  	s17 =	sadd.s32 $0x10, s17  }
0x3d: {  	v3 =	vor.u32 v4, v3;
	p1 =	slt.u32 s17, $0x70  }
.Ltmp3:
0x3e: {  	v4 =	vshrl.u32 v1, $0xD;
	v5 =	vshll.u32 v1, $0x7;
	s15 =	smov.u32 s16;
	v0 =	vor.u32 v2, v3;
	v2 =	vmovc v1;
	v1 =	vld.msk [tilespmem:s18+$0x0 ss:$0x1], $0xffff;
	(pc) =	sbr.rel @p1 .LBB2_3-.Ltmp3, $4  }
0x3f: {  	v3 =	vand.u32 $0xFFF80, v5;
	vm1 =	veq.s32 v2, $0x80000000;
	v2 =	vand.u32 $0xF, v4  }
0x40: {  	v4 =	vsel vm1, $0xFFFFFFFF, v2;
	v5 =	vsel vm1, $0xFFFFFF80, v3  }
0x41: {  	v2 =	vand.u32 $0x7F, v4;
	v3 =	vand.u32 $0xFFFFFC00, v5;
	v4 =	vand.u32 $0xFFFFFC00, v4  }
0x42: {  	s16 =	sadd.s32 $0x10, s16;
	s18 =	sadd.s32 $0x10, s18;
	v3 =	vadd.s32 v4, v3;
	v4 =	vand.u32 $0x380, v5;
	(ifvalue) =	ssetifvalue $0x7FFFFFFF  }
.Ltmp4:
0x43: {  	_ = 	snop;
	(pc) =	sbr.rel .LBB2_4-.Ltmp4, $1  }
0x44: {  	_ =	sdelay $0x3  }
.LBB2_6:
0x45: {  	_ =	sfence.sel $0x180000  }
0x46: {  	s2 =	simm.s32 $0x2;
	[bflag:$0x0] =	sbarrier.arrive $0xFFFF  }
0x47: {  	s30 =	simm.s32 $0x3;
	[sflag:s2] =	ssyncpa.u1 $0x1  }
0x48: {  	s31 =	simm.s32 $0x1;
	[sflag:s30] =	ssyncpa.u1 $0x1  }
0x49: {  	[sflag:s31] =	ssyncpa.u1 $0x1  }
0x4a: {  	p0 =	sne.s32 s0, $0x0;
	_ =	strace $0x90000047  }
0x4b: {  	s0 =	sadd.s32 @!p0 $0x100000, s1;
	[bflag:$0x2] =	sbarrier.arrive $0xFFFF  }
0x4c: {  	[sflag:s0] =	ssyncadd.tile.s32 @!p0 $0x1;
	_ =	shalt  }
.Lfunc_end2:
_tile_overlayer_lowered:
.L_overlay_start_2:
0x4d: {  	(tag) =	ssettag $0x2  }
0x4e: {  	s0 =	rddreg [dreg:$0x0];
	s2 =	stileid.u32  }
0x4f: {  	s1 =	rddreg [dreg:$0x1];
	p0 =	sne.s32 s2, $0x0  }
0x50: {  	s3 =	rddreg [dreg:$0x2];
	[bflag:$0x3] =	sbarrier.arrive $0xFFFF;
	s2 =	simm.s32 @!p0 $0x1C01  }
0x51: {  	[timem:s3], [sflag:s2] =	dma.local @!p0 [hbm:s0], s1  }
0x52: {  	s0 =	simm.s32 @!p0 $0x1  }
0x53: {  	_ =	swait.ge @!p0 [sflag:s0], s1  }
0x54: {  	s1 =	ssub.s32 @!p0 $0x0, s1;
	[sflag:s0] =	ssyncset.done @!p0 $0x0  }
0x55: {  	[sflag:s0] =	ssyncadd.s32 @!p0 s1  }
0x56: {  	[bflag:$0x3] =	sbarrier.arrive $0xFFFF  }
0x57: {  	_ =	shalt  }

</sc_bundles>
